<compile_context>
chip_gen: v7x
topology: tpu7x:2x2x1
jax: 0.10.2.dev20260603
libtpu: 0.0.44.dev20260713+nightly
codegen_flags: <defaults>
</compile_context>

<pallas_src>
import math

import jax
import jax.numpy as jnp
from jax import lax
from jax.experimental import pallas as pl
from jax.experimental.pallas import tpu as pltpu
from jax.experimental.pallas import tpu_sc as plsc

_B = 64
_T = 45
_H = 256
_D = 23040
_N = 1024
_F32 = jnp.float32

_PAD_ROWS = 9216
_RPW = 288
_CHUNK = 96


def _lstm(x, Wih, Whh, bih, bhh):
    B = x.shape[0]

    def step(carry, xt):
        h, c = carry
        gates = xt @ Wih.T + h @ Whh.T + bih + bhh
        i, f, g, o = jnp.split(gates, 4, axis=-1)
        i = jax.nn.sigmoid(i)
        f = jax.nn.sigmoid(f)
        g = jnp.tanh(g)
        o = jax.nn.sigmoid(o)
        c = f * c + i * g
        h = o * jnp.tanh(c)
        return (h, c), h

    h0 = jnp.zeros((B, _H), dtype=x.dtype)
    c0 = jnp.zeros((B, _H), dtype=x.dtype)
    _, hs = jax.lax.scan(step, (h0, c0), jnp.transpose(x, (1, 0, 2)))
    return jnp.transpose(hs, (1, 0, 2))


def _softmax_body(s_ref, o_ref):
    s = s_ref[...]
    m = jnp.max(s, axis=1, keepdims=True)
    p = jnp.exp(s - m)
    o_ref[...] = p / jnp.sum(p, axis=1, keepdims=True)


def _topk_body(s_ref, idx_ref):
    x = s_ref[...]
    col = lax.broadcasted_iota(jnp.int32, (_B, _N), 1)
    cols = []
    for _ in range(3):
        m = jnp.max(x, axis=1, keepdims=True)
        am = jnp.min(jnp.where(x == m, col, _N), axis=1, keepdims=True)
        cols.append(am)
        x = jnp.where(col == am, -jnp.inf, x)
    idx_ref[...] = jnp.concatenate(cols, axis=1)


def _sc_gather_body(lab_ref, idx_ref, out_ref, idx_v, rows_v, sem):
    wid = lax.axis_index("s") * 2 + lax.axis_index("c")
    base = wid * _RPW
    for ch in range(_RPW // _CHUNK):
        off = base + ch * _CHUNK
        pltpu.sync_copy(idx_ref.at[pl.ds(off, _CHUNK)], idx_v)
        pltpu.async_copy(lab_ref.at[idx_v], rows_v, sem).wait()
        pltpu.sync_copy(rows_v, out_ref.at[pl.ds(off, _CHUNK)])


def _gather_rows(lab2, flat_idx):
    f = pl.kernel(
        _sc_gather_body,
        out_type=jax.ShapeDtypeStruct((_PAD_ROWS, 512), _F32),
        mesh=plsc.VectorSubcoreMesh(core_axis_name="c", subcore_axis_name="s"),
        scratch_types=[
            pltpu.VMEM((_CHUNK,), jnp.int32),
            pltpu.VMEM((_CHUNK, 512), _F32),
            pltpu.SemaphoreType.DMA,
        ],
    )
    return f(lab2, flat_idx)


def kernel(src, data, label, W1, b1, Wih_f, Whh_f, bih_f, bhh_f,
           Wih_b, Whh_b, bih_b, bhh_b):
    B, S, T, Fd = src.shape
    x = jnp.transpose(src, (0, 2, 1, 3)).reshape(B, T, S * Fd)
    x = jnp.transpose(x, (0, 2, 1))
    x = x @ W1.T + b1
    x = jnp.transpose(x, (0, 2, 1))
    hf = _lstm(x, Wih_f, Whh_f, bih_f, bhh_f)
    hb = jnp.flip(_lstm(jnp.flip(x, 1), Wih_b, Whh_b, bih_b, bhh_b), 1)
    e_imu = jnp.concatenate([hf, hb], axis=-1)

    q = e_imu.reshape(B, -1)
    kmat = data.reshape(_N, -1)
    score = (q @ kmat.T) / math.sqrt(512)

    attn = pl.pallas_call(
        _softmax_body,
        out_shape=jax.ShapeDtypeStruct((_B, _N), _F32),
    )(score)
    e2 = (attn @ kmat)

    lab2 = label.reshape(_N, _D)
    q2 = e2
    qn = jnp.maximum(jnp.linalg.norm(q2, axis=-1, keepdims=True), 1e-8)
    ln = jnp.maximum(jnp.linalg.norm(lab2, axis=-1, keepdims=True), 1e-8)
    sims = (q2 / qn) @ (lab2 / ln).T
    idx = pl.pallas_call(
        _topk_body,
        out_shape=jax.ShapeDtypeStruct((_B, 3), jnp.int32),
    )(sims)

    flat = (idx.reshape(_B * 3, 1) * _T
            + jnp.arange(_T, dtype=jnp.int32).reshape(1, _T)).reshape(-1)
    flat = jnp.concatenate(
        [flat, jnp.zeros((_PAD_ROWS - _B * 3 * _T,), jnp.int32)])
    rows = _gather_rows(label.reshape(_N * _T, 512), flat)
    labels = rows[:_B * 3 * _T].reshape(_B, 3 * _T, 512)
    return e2.reshape(B, _T, 512), labels

# --- scband reference (transcript-rebuilt; emitter-appended) ---
"""Pipeline reference for scband-retriever-model-10926396801528 (READ-ONLY COPY).

The authoritative reference and input builder live on the scoring server;
editing this copy changes nothing except your own understanding.
"""

import math
import jax, jax.numpy as jnp
import numpy as np

H = 256

def _lstm(x, Wih, Whh, bih, bhh):
    # x: (B, T, in); PyTorch gate order i, f, g, o
    B = x.shape[0]
    def step(carry, xt):
        h, c = carry
        gates = xt @ Wih.T + h @ Whh.T + bih + bhh
        i, f, g, o = jnp.split(gates, 4, axis=-1)
        i = jax.nn.sigmoid(i)
        f = jax.nn.sigmoid(f)
        g = jnp.tanh(g)
        o = jax.nn.sigmoid(o)
        c = f * c + i * g
        h = o * jnp.tanh(c)
        return (h, c), h
    h0 = jnp.zeros((B, H), dtype=x.dtype)
    c0 = jnp.zeros((B, H), dtype=x.dtype)
    _, hs = jax.lax.scan(step, (h0, c0), jnp.transpose(x, (1, 0, 2)))
    return jnp.transpose(hs, (1, 0, 2))


def setup_inputs(seed: int = 0) -> dict:
    key = jax.random.key(seed)
    ks = jax.random.split(key, 16)
    s = 0.05
    inp = {}
    inp['src'] = jax.random.normal(ks[0], (64, 5, 1500, 6), dtype=jnp.float32)
    inp['data'] = jax.random.normal(ks[1], (1024, 45, 512), dtype=jnp.float32)
    inp['label'] = jax.random.normal(ks[2], (1024, 45, 512), dtype=jnp.float32)
    # linear1: Linear(1500, 45)
    inp['W1'] = jax.random.normal(ks[3], (45, 1500), dtype=jnp.float32) * s
    inp['b1'] = jnp.zeros((45,), dtype=jnp.float32)
    # bidirectional LSTM(input=30, hidden=256)
    inp['Wih_f'] = jax.random.normal(ks[4], (4 * H, 30), dtype=jnp.float32) * s
    inp['Whh_f'] = jax.random.normal(ks[5], (4 * H, H), dtype=jnp.float32) * s
    inp['bih_f'] = jnp.zeros((4 * H,), dtype=jnp.float32)
    inp['bhh_f'] = jnp.zeros((4 * H,), dtype=jnp.float32)
    inp['Wih_b'] = jax.random.normal(ks[6], (4 * H, 30), dtype=jnp.float32) * s
    inp['Whh_b'] = jax.random.normal(ks[7], (4 * H, H), dtype=jnp.float32) * s
    inp['bih_b'] = jnp.zeros((4 * H,), dtype=jnp.float32)
    inp['bhh_b'] = jnp.zeros((4 * H,), dtype=jnp.float32)
    return inp


def reference(src, data, label, W1, b1, Wih_f, Whh_f, bih_f, bhh_f, Wih_b, Whh_b, bih_b, bhh_b):
    B, S, T, Fd = src.shape
    # IMUEncoder
    x = jnp.transpose(src, (0, 2, 1, 3)).reshape(B, T, S * Fd)   # (B, 1500, 30)
    x = jnp.transpose(x, (0, 2, 1))                              # (B, 30, 1500)
    x = x @ W1.T + b1                                            # (B, 30, 45)
    x = jnp.transpose(x, (0, 2, 1))                              # (B, 45, 30)
    hf = _lstm(x, Wih_f, Whh_f, bih_f, bhh_f)
    hb = jnp.flip(_lstm(jnp.flip(x, 1), Wih_b, Whh_b, bih_b, bhh_b), 1)
    e_imu = jnp.concatenate([hf, hb], axis=-1)                   # (B, 45, 512)
    # database cross-attention
    q = e_imu.reshape(B, -1)                                     # (B, 23040)
    N = data.shape[0]
    kmat = data.reshape(N, -1)                                   # (N, 23040)
    score = (q @ kmat.T) / math.sqrt(512)                        # (B, N)
    attn = jax.nn.softmax(score, axis=-1)
    e2 = (attn @ kmat).reshape(B, 45, 512)
    # retrieval: per-query cosine similarity against all labels + top-k
    q2 = e2.reshape(B, -1)
    lab = label.reshape(label.shape[0], -1)                      # (L, 23040)
    qn = jnp.maximum(jnp.linalg.norm(q2, axis=-1, keepdims=True), 1e-8)
    ln = jnp.maximum(jnp.linalg.norm(lab, axis=-1, keepdims=True), 1e-8)
    sims = (q2 / qn) @ (lab / ln).T                              # (B, L)
    _, idx = jax.lax.top_k(sims, 3)                              # (B, 3)
    labels = jnp.take(lab, idx, axis=0)                          # (B, 3, 23040)
    labels = labels.reshape(B, -1, 512)                          # (B, 135, 512)
    return (e2, labels)

if __name__ == "__main__":
    import jax
    _d = setup_inputs()
    print(jax.jit(kernel)(*tuple(_d.values())))

</pallas_src>

<mosaic_0001>
#map = affine_map<(d0, d1) -> (0, 0)>
#map1 = affine_map<(d0, d1) -> (0)>
module attributes {stable_mosaic.version = 14 : i64} {
  func.func @_sc_gather_body(%arg0: i32, %arg1: i32, %arg2: memref<46080x512xf32, #tpu.memory_space<hbm>>, %arg3: memref<9216xi32, #tpu.memory_space<hbm>>, %arg4: memref<9216x512xf32, #tpu.memory_space<hbm>>, %arg5: memref<96xi32, #tpu.memory_space<vmem>>, %arg6: memref<96x512xf32, #tpu.memory_space<vmem>>, %arg7: memref<!tpu.dma_semaphore, #tpu.memory_space<semaphore_mem>>) attributes {dimension_semantics = [#tpu.dimension_semantics<core_parallel>, #tpu.dimension_semantics<subcore_parallel>], iteration_bounds = array<i64: 2, 16>, scalar_prefetch = 0 : i64, scratch_operands = 3 : i64, tpu.core_type = #tpu.core_type<sc_vector_subcore>, window_params = [{transform_indices = #map}, {transform_indices = #map1}, {transform_indices = #map}]} {
    %mul3A = arith.constant 2 : i32
    %mul3A_0 = arith.muli %arg1, %mul3A : i32
    %add3A = arith.addi %mul3A_0, %arg0 : i32
    %mul3A_1 = arith.constant 288 : i32
    %mul3A_2 = arith.muli %add3A, %mul3A_1 : i32
    %add3A_3 = arith.constant 0 : i32
    %add3A_4 = arith.addi %mul3A_2, %add3A_3 : i32
    "tpu.region"() ({
      %run_scoped3A = tpu.sem_alloc : memref<!tpu.dma_semaphore, #tpu.memory_space<semaphore_mem>>
      %dma_start3A_25 = tpu.memref_slice %arg3[%add3A_4] : memref<9216xi32, #tpu.memory_space<hbm>> -> memref<96xi32, #tpu.memory_space<hbm>>
      %dma_start3A_26 = tpu.memref_slice %arg3[%add3A_4] : memref<9216xi32, #tpu.memory_space<hbm>> -> memref<96xi32, #tpu.memory_space<hbm>>
      tpu.enqueue_dma source(%dma_start3A_26 : memref<96xi32, #tpu.memory_space<hbm>>) target(%arg5 : memref<96xi32, #tpu.memory_space<vmem>>) target_semaphore(%run_scoped3A : memref<!tpu.dma_semaphore, #tpu.memory_space<semaphore_mem>>)
      %dma_wait3A_27 = tpu.memref_slice %arg3[%add3A_4] : memref<9216xi32, #tpu.memory_space<hbm>> -> memref<96xi32, #tpu.memory_space<hbm>>
      %dma_wait3A_28 = tpu.memref_slice %arg3[%add3A_4] : memref<9216xi32, #tpu.memory_space<hbm>> -> memref<96xi32, #tpu.memory_space<hbm>>
      tpu.wait_dma2 semaphore(%run_scoped3A : memref<!tpu.dma_semaphore, #tpu.memory_space<semaphore_mem>>) src(%dma_wait3A_28 : memref<96xi32, #tpu.memory_space<hbm>>) dst(%arg5 : memref<96xi32, #tpu.memory_space<vmem>>)
      tpu.yield
    }) : () -> ()
    %dma_start3A = arith.constant 0 : i32
    %dma_start3A_5 = arith.constant 0 : i32
    %dma_start3A_6 = tpu.memref_slice %arg2[%dma_start3A, %dma_start3A_5] : memref<46080x512xf32, #tpu.memory_space<hbm>> -> memref<46080x512xf32, #tpu.memory_space<hbm>>
    tpu.enqueue_indirect_dma source(%dma_start3A_6 : memref<46080x512xf32, #tpu.memory_space<hbm>>) target(%arg6 : memref<96x512xf32, #tpu.memory_space<vmem>>) offsets(%arg5 : memref<96xi32, #tpu.memory_space<vmem>>) semaphore(%arg7 : memref<!tpu.dma_semaphore, #tpu.memory_space<semaphore_mem>>)
    %dma_wait3A = arith.constant 0 : i32
    %dma_wait3A_7 = arith.constant 0 : i32
    %dma_wait3A_8 = tpu.memref_slice %arg2[%dma_wait3A, %dma_wait3A_7] : memref<46080x512xf32, #tpu.memory_space<hbm>> -> memref<46080x512xf32, #tpu.memory_space<hbm>>
    tpu.wait_indirect_dma semaphore(%arg7 : memref<!tpu.dma_semaphore, #tpu.memory_space<semaphore_mem>>) src(%dma_wait3A_8 : memref<46080x512xf32, #tpu.memory_space<hbm>>) dst(%arg6 : memref<96x512xf32, #tpu.memory_space<vmem>>)
    "tpu.region"() ({
      %run_scoped3A = tpu.sem_alloc : memref<!tpu.dma_semaphore, #tpu.memory_space<semaphore_mem>>
      %dma_start3A_25 = arith.constant 0 : i32
      %dma_start3A_26 = tpu.memref_slice %arg4[%add3A_4, %dma_start3A_25] : memref<9216x512xf32, #tpu.memory_space<hbm>> -> memref<96x512xf32, #tpu.memory_space<hbm>>
      %dma_start3A_27 = arith.constant 0 : i32
      %dma_start3A_28 = tpu.memref_slice %arg4[%add3A_4, %dma_start3A_27] : memref<9216x512xf32, #tpu.memory_space<hbm>> -> memref<96x512xf32, #tpu.memory_space<hbm>>
      tpu.enqueue_dma source(%arg6 : memref<96x512xf32, #tpu.memory_space<vmem>>) target(%dma_start3A_28 : memref<96x512xf32, #tpu.memory_space<hbm>>) target_semaphore(%run_scoped3A : memref<!tpu.dma_semaphore, #tpu.memory_space<semaphore_mem>>)
      %dma_wait3A_29 = arith.constant 0 : i32
      %dma_wait3A_30 = tpu.memref_slice %arg4[%add3A_4, %dma_wait3A_29] : memref<9216x512xf32, #tpu.memory_space<hbm>> -> memref<96x512xf32, #tpu.memory_space<hbm>>
      %dma_wait3A_31 = arith.constant 0 : i32
      %dma_wait3A_32 = tpu.memref_slice %arg4[%add3A_4, %dma_wait3A_31] : memref<9216x512xf32, #tpu.memory_space<hbm>> -> memref<96x512xf32, #tpu.memory_space<hbm>>
      tpu.wait_dma2 semaphore(%run_scoped3A : memref<!tpu.dma_semaphore, #tpu.memory_space<semaphore_mem>>) src(%arg6 : memref<96x512xf32, #tpu.memory_space<vmem>>) dst(%dma_wait3A_32 : memref<96x512xf32, #tpu.memory_space<hbm>>)
      tpu.yield
    }) : () -> ()
    %add3A_9 = arith.constant 96 : i32
    %add3A_10 = arith.addi %mul3A_2, %add3A_9 : i32
    "tpu.region"() ({
      %run_scoped3A = tpu.sem_alloc : memref<!tpu.dma_semaphore, #tpu.memory_space<semaphore_mem>>
      %dma_start3A_25 = tpu.memref_slice %arg3[%add3A_10] : memref<9216xi32, #tpu.memory_space<hbm>> -> memref<96xi32, #tpu.memory_space<hbm>>
      %dma_start3A_26 = tpu.memref_slice %arg3[%add3A_10] : memref<9216xi32, #tpu.memory_space<hbm>> -> memref<96xi32, #tpu.memory_space<hbm>>
      tpu.enqueue_dma source(%dma_start3A_26 : memref<96xi32, #tpu.memory_space<hbm>>) target(%arg5 : memref<96xi32, #tpu.memory_space<vmem>>) target_semaphore(%run_scoped3A : memref<!tpu.dma_semaphore, #tpu.memory_space<semaphore_mem>>)
      %dma_wait3A_27 = tpu.memref_slice %arg3[%add3A_10] : memref<9216xi32, #tpu.memory_space<hbm>> -> memref<96xi32, #tpu.memory_space<hbm>>
      %dma_wait3A_28 = tpu.memref_slice %arg3[%add3A_10] : memref<9216xi32, #tpu.memory_space<hbm>> -> memref<96xi32, #tpu.memory_space<hbm>>
      tpu.wait_dma2 semaphore(%run_scoped3A : memref<!tpu.dma_semaphore, #tpu.memory_space<semaphore_mem>>) src(%dma_wait3A_28 : memref<96xi32, #tpu.memory_space<hbm>>) dst(%arg5 : memref<96xi32, #tpu.memory_space<vmem>>)
      tpu.yield
    }) : () -> ()
    %dma_start3A_11 = arith.constant 0 : i32
    %dma_start3A_12 = arith.constant 0 : i32
    %dma_start3A_13 = tpu.memref_slice %arg2[%dma_start3A_11, %dma_start3A_12] : memref<46080x512xf32, #tpu.memory_space<hbm>> -> memref<46080x512xf32, #tpu.memory_space<hbm>>
    tpu.enqueue_indirect_dma source(%dma_start3A_13 : memref<46080x512xf32, #tpu.memory_space<hbm>>) target(%arg6 : memref<96x512xf32, #tpu.memory_space<vmem>>) offsets(%arg5 : memref<96xi32, #tpu.memory_space<vmem>>) semaphore(%arg7 : memref<!tpu.dma_semaphore, #tpu.memory_space<semaphore_mem>>)
    %dma_wait3A_14 = arith.constant 0 : i32
    %dma_wait3A_15 = arith.constant 0 : i32
    %dma_wait3A_16 = tpu.memref_slice %arg2[%dma_wait3A_14, %dma_wait3A_15] : memref<46080x512xf32, #tpu.memory_space<hbm>> -> memref<46080x512xf32, #tpu.memory_space<hbm>>
    tpu.wait_indirect_dma semaphore(%arg7 : memref<!tpu.dma_semaphore, #tpu.memory_space<semaphore_mem>>) src(%dma_wait3A_16 : memref<46080x512xf32, #tpu.memory_space<hbm>>) dst(%arg6 : memref<96x512xf32, #tpu.memory_space<vmem>>)
    "tpu.region"() ({
      %run_scoped3A = tpu.sem_alloc : memref<!tpu.dma_semaphore, #tpu.memory_space<semaphore_mem>>
      %dma_start3A_25 = arith.constant 0 : i32
      %dma_start3A_26 = tpu.memref_slice %arg4[%add3A_10, %dma_start3A_25] : memref<9216x512xf32, #tpu.memory_space<hbm>> -> memref<96x512xf32, #tpu.memory_space<hbm>>
      %dma_start3A_27 = arith.constant 0 : i32
      %dma_start3A_28 = tpu.memref_slice %arg4[%add3A_10, %dma_start3A_27] : memref<9216x512xf32, #tpu.memory_space<hbm>> -> memref<96x512xf32, #tpu.memory_space<hbm>>
      tpu.enqueue_dma source(%arg6 : memref<96x512xf32, #tpu.memory_space<vmem>>) target(%dma_start3A_28 : memref<96x512xf32, #tpu.memory_space<hbm>>) target_semaphore(%run_scoped3A : memref<!tpu.dma_semaphore, #tpu.memory_space<semaphore_mem>>)
      %dma_wait3A_29 = arith.constant 0 : i32
      %dma_wait3A_30 = tpu.memref_slice %arg4[%add3A_10, %dma_wait3A_29] : memref<9216x512xf32, #tpu.memory_space<hbm>> -> memref<96x512xf32, #tpu.memory_space<hbm>>
      %dma_wait3A_31 = arith.constant 0 : i32
      %dma_wait3A_32 = tpu.memref_slice %arg4[%add3A_10, %dma_wait3A_31] : memref<9216x512xf32, #tpu.memory_space<hbm>> -> memref<96x512xf32, #tpu.memory_space<hbm>>
      tpu.wait_dma2 semaphore(%run_scoped3A : memref<!tpu.dma_semaphore, #tpu.memory_space<semaphore_mem>>) src(%arg6 : memref<96x512xf32, #tpu.memory_space<vmem>>) dst(%dma_wait3A_32 : memref<96x512xf32, #tpu.memory_space<hbm>>)
      tpu.yield
    }) : () -> ()
    %add3A_17 = arith.constant 192 : i32
    %add3A_18 = arith.addi %mul3A_2, %add3A_17 : i32
    "tpu.region"() ({
      %run_scoped3A = tpu.sem_alloc : memref<!tpu.dma_semaphore, #tpu.memory_space<semaphore_mem>>
      %dma_start3A_25 = tpu.memref_slice %arg3[%add3A_18] : memref<9216xi32, #tpu.memory_space<hbm>> -> memref<96xi32, #tpu.memory_space<hbm>>
      %dma_start3A_26 = tpu.memref_slice %arg3[%add3A_18] : memref<9216xi32, #tpu.memory_space<hbm>> -> memref<96xi32, #tpu.memory_space<hbm>>
      tpu.enqueue_dma source(%dma_start3A_26 : memref<96xi32, #tpu.memory_space<hbm>>) target(%arg5 : memref<96xi32, #tpu.memory_space<vmem>>) target_semaphore(%run_scoped3A : memref<!tpu.dma_semaphore, #tpu.memory_space<semaphore_mem>>)
      %dma_wait3A_27 = tpu.memref_slice %arg3[%add3A_18] : memref<9216xi32, #tpu.memory_space<hbm>> -> memref<96xi32, #tpu.memory_space<hbm>>
      %dma_wait3A_28 = tpu.memref_slice %arg3[%add3A_18] : memref<9216xi32, #tpu.memory_space<hbm>> -> memref<96xi32, #tpu.memory_space<hbm>>
      tpu.wait_dma2 semaphore(%run_scoped3A : memref<!tpu.dma_semaphore, #tpu.memory_space<semaphore_mem>>) src(%dma_wait3A_28 : memref<96xi32, #tpu.memory_space<hbm>>) dst(%arg5 : memref<96xi32, #tpu.memory_space<vmem>>)
      tpu.yield
    }) : () -> ()
    %dma_start3A_19 = arith.constant 0 : i32
    %dma_start3A_20 = arith.constant 0 : i32
    %dma_start3A_21 = tpu.memref_slice %arg2[%dma_start3A_19, %dma_start3A_20] : memref<46080x512xf32, #tpu.memory_space<hbm>> -> memref<46080x512xf32, #tpu.memory_space<hbm>>
    tpu.enqueue_indirect_dma source(%dma_start3A_21 : memref<46080x512xf32, #tpu.memory_space<hbm>>) target(%arg6 : memref<96x512xf32, #tpu.memory_space<vmem>>) offsets(%arg5 : memref<96xi32, #tpu.memory_space<vmem>>) semaphore(%arg7 : memref<!tpu.dma_semaphore, #tpu.memory_space<semaphore_mem>>)
    %dma_wait3A_22 = arith.constant 0 : i32
    %dma_wait3A_23 = arith.constant 0 : i32
    %dma_wait3A_24 = tpu.memref_slice %arg2[%dma_wait3A_22, %dma_wait3A_23] : memref<46080x512xf32, #tpu.memory_space<hbm>> -> memref<46080x512xf32, #tpu.memory_space<hbm>>
    tpu.wait_indirect_dma semaphore(%arg7 : memref<!tpu.dma_semaphore, #tpu.memory_space<semaphore_mem>>) src(%dma_wait3A_24 : memref<46080x512xf32, #tpu.memory_space<hbm>>) dst(%arg6 : memref<96x512xf32, #tpu.memory_space<vmem>>)
    "tpu.region"() ({
      %run_scoped3A = tpu.sem_alloc : memref<!tpu.dma_semaphore, #tpu.memory_space<semaphore_mem>>
      %dma_start3A_25 = arith.constant 0 : i32
      %dma_start3A_26 = tpu.memref_slice %arg4[%add3A_18, %dma_start3A_25] : memref<9216x512xf32, #tpu.memory_space<hbm>> -> memref<96x512xf32, #tpu.memory_space<hbm>>
      %dma_start3A_27 = arith.constant 0 : i32
      %dma_start3A_28 = tpu.memref_slice %arg4[%add3A_18, %dma_start3A_27] : memref<9216x512xf32, #tpu.memory_space<hbm>> -> memref<96x512xf32, #tpu.memory_space<hbm>>
      tpu.enqueue_dma source(%arg6 : memref<96x512xf32, #tpu.memory_space<vmem>>) target(%dma_start3A_28 : memref<96x512xf32, #tpu.memory_space<hbm>>) target_semaphore(%run_scoped3A : memref<!tpu.dma_semaphore, #tpu.memory_space<semaphore_mem>>)
      %dma_wait3A_29 = arith.constant 0 : i32
      %dma_wait3A_30 = tpu.memref_slice %arg4[%add3A_18, %dma_wait3A_29] : memref<9216x512xf32, #tpu.memory_space<hbm>> -> memref<96x512xf32, #tpu.memory_space<hbm>>
      %dma_wait3A_31 = arith.constant 0 : i32
      %dma_wait3A_32 = tpu.memref_slice %arg4[%add3A_18, %dma_wait3A_31] : memref<9216x512xf32, #tpu.memory_space<hbm>> -> memref<96x512xf32, #tpu.memory_space<hbm>>
      tpu.wait_dma2 semaphore(%run_scoped3A : memref<!tpu.dma_semaphore, #tpu.memory_space<semaphore_mem>>) src(%arg6 : memref<96x512xf32, #tpu.memory_space<vmem>>) dst(%dma_wait3A_32 : memref<96x512xf32, #tpu.memory_space<hbm>>)
      tpu.yield
    }) : () -> ()
    return
  }
}

module attributes {stable_mosaic.version = 14 : i64} {
  func.func @_softmax_body(%arg0: memref<64x1024xf32, #tpu.memory_space<vmem>>, %arg1: memref<64x1024xf32, #tpu.memory_space<vmem>>) attributes {dimension_semantics = [], scalar_prefetch = 0 : i64, scratch_operands = 0 : i64, tpu.core_type = #tpu.core_type<tc>} {
    %get3A = arith.constant 0 : index
    %get3A_0 = arith.constant 0 : index
    %get3A_1 = vector.load %arg0[%get3A, %get3A_0] : memref<64x1024xf32, #tpu.memory_space<vmem>>, vector<64x1024xf32>
    %reduce_max3A = arith.constant dense<0xFF800000> : vector<64xf32>
    %reduce_max3A_2 = vector.multi_reduction <maximumf>, %get3A_1, %reduce_max3A [1] : vector<64x1024xf32> to vector<64xf32>
    %broadcast_in_dim3A = vector.shape_cast %reduce_max3A_2 : vector<64xf32> to vector<64x1xf32>
    %sub3A = vector.broadcast %broadcast_in_dim3A : vector<64x1xf32> to vector<64x1024xf32>
    %sub3A_3 = arith.subf %get3A_1, %sub3A : vector<64x1024xf32>
    %exp3A = math.exp %sub3A_3 : vector<64x1024xf32>
    %reduce_sum3A = arith.constant dense<0.000000e+00> : vector<64xf32>
    %reduce_sum3A_4 = vector.multi_reduction <add>, %exp3A, %reduce_sum3A [1] : vector<64x1024xf32> to vector<64xf32>
    %broadcast_in_dim3A_5 = vector.shape_cast %reduce_sum3A_4 : vector<64xf32> to vector<64x1xf32>
    %div3A = vector.broadcast %broadcast_in_dim3A_5 : vector<64x1xf32> to vector<64x1024xf32>
    %div3A_6 = arith.divf %exp3A, %div3A : vector<64x1024xf32>
    %swap3A = arith.constant 0 : index
    %swap3A_7 = arith.constant 0 : index
    %swap3A_8 = vector.load %arg1[%swap3A, %swap3A_7] : memref<64x1024xf32, #tpu.memory_space<vmem>>, vector<64x1024xf32>
    tpu.vector_store %arg1[%swap3A, %swap3A_7], %div3A_6 {strides = array<i32>} : memref<64x1024xf32, #tpu.memory_space<vmem>>, vector<64x1024xf32>,
    return
  }
}

module attributes {stable_mosaic.version = 14 : i64} {
  func.func @_topk_body(%arg0: memref<64x1024xf32, #tpu.memory_space<vmem>>, %arg1: memref<64x3xi32, #tpu.memory_space<vmem>>) attributes {dimension_semantics = [], scalar_prefetch = 0 : i64, scratch_operands = 0 : i64, tpu.core_type = #tpu.core_type<tc>} {
    %get3A = arith.constant 0 : index
    %get3A_0 = arith.constant 0 : index
    %get3A_1 = vector.load %arg0[%get3A, %get3A_0] : memref<64x1024xf32, #tpu.memory_space<vmem>>, vector<64x1024xf32>
    %iota3A = tpu.iota {dimensions = array<i32: 1>} : vector<64x1024xi32>
    %reduce_max3A = arith.constant dense<0xFF800000> : vector<64xf32>
    %reduce_max3A_2 = vector.multi_reduction <maximumf>, %get3A_1, %reduce_max3A [1] : vector<64x1024xf32> to vector<64xf32>
    %broadcast_in_dim3A = vector.shape_cast %reduce_max3A_2 : vector<64xf32> to vector<64x1xf32>
    %eq3A = vector.broadcast %broadcast_in_dim3A : vector<64x1xf32> to vector<64x1024xf32>
    %eq3A_3 = arith.cmpf oeq, %get3A_1, %eq3A : vector<64x1024xf32>
    %jit3A = arith.constant 1024 : i32
    %broadcast_in_dim3A_4 = vector.broadcast %jit3A : i32 to vector<64x1024xi32>
    %select_n3A = arith.select %eq3A_3, %iota3A, %broadcast_in_dim3A_4 : vector<64x1024xi1>, vector<64x1024xi32>
    %reduce_min3A = arith.constant dense<2147483647> : vector<64xi32>
    %reduce_min3A_5 = vector.multi_reduction <minsi>, %select_n3A, %reduce_min3A [1] : vector<64x1024xi32> to vector<64xi32>
    %broadcast_in_dim3A_6 = vector.shape_cast %reduce_min3A_5 : vector<64xi32> to vector<64x1xi32>
    %eq3A_7 = vector.broadcast %broadcast_in_dim3A_6 : vector<64x1xi32> to vector<64x1024xi32>
    %eq3A_8 = arith.cmpi eq, %iota3A, %eq3A_7 : vector<64x1024xi32>
    %jit3A_9 = arith.constant 0xFF800000 : f32
    %broadcast_in_dim3A_10 = vector.broadcast %jit3A_9 : f32 to vector<64x1024xf32>
    %select_n3A_11 = arith.select %eq3A_8, %broadcast_in_dim3A_10, %get3A_1 : vector<64x1024xi1>, vector<64x1024xf32>
    %reduce_max3A_12 = arith.constant dense<0xFF800000> : vector<64xf32>
    %reduce_max3A_13 = vector.multi_reduction <maximumf>, %select_n3A_11, %reduce_max3A_12 [1] : vector<64x1024xf32> to vector<64xf32>
    %broadcast_in_dim3A_14 = vector.shape_cast %reduce_max3A_13 : vector<64xf32> to vector<64x1xf32>
    %eq3A_15 = vector.broadcast %broadcast_in_dim3A_14 : vector<64x1xf32> to vector<64x1024xf32>
    %eq3A_16 = arith.cmpf oeq, %select_n3A_11, %eq3A_15 : vector<64x1024xf32>
    %jit3A_17 = arith.constant 1024 : i32
    %broadcast_in_dim3A_18 = vector.broadcast %jit3A_17 : i32 to vector<64x1024xi32>
    %select_n3A_19 = arith.select %eq3A_16, %iota3A, %broadcast_in_dim3A_18 : vector<64x1024xi1>, vector<64x1024xi32>
    %reduce_min3A_20 = arith.constant dense<2147483647> : vector<64xi32>
    %reduce_min3A_21 = vector.multi_reduction <minsi>, %select_n3A_19, %reduce_min3A_20 [1] : vector<64x1024xi32> to vector<64xi32>
    %broadcast_in_dim3A_22 = vector.shape_cast %reduce_min3A_21 : vector<64xi32> to vector<64x1xi32>
    %eq3A_23 = vector.broadcast %broadcast_in_dim3A_22 : vector<64x1xi32> to vector<64x1024xi32>
    %eq3A_24 = arith.cmpi eq, %iota3A, %eq3A_23 : vector<64x1024xi32>
    %jit3A_25 = arith.constant 0xFF800000 : f32
    %broadcast_in_dim3A_26 = vector.broadcast %jit3A_25 : f32 to vector<64x1024xf32>
    %select_n3A_27 = arith.select %eq3A_24, %broadcast_in_dim3A_26, %select_n3A_11 : vector<64x1024xi1>, vector<64x1024xf32>
    %reduce_max3A_28 = arith.constant dense<0xFF800000> : vector<64xf32>
    %reduce_max3A_29 = vector.multi_reduction <maximumf>, %select_n3A_27, %reduce_max3A_28 [1] : vector<64x1024xf32> to vector<64xf32>
    %broadcast_in_dim3A_30 = vector.shape_cast %reduce_max3A_29 : vector<64xf32> to vector<64x1xf32>
    %eq3A_31 = vector.broadcast %broadcast_in_dim3A_30 : vector<64x1xf32> to vector<64x1024xf32>
    %eq3A_32 = arith.cmpf oeq, %select_n3A_27, %eq3A_31 : vector<64x1024xf32>
    %jit3A_33 = arith.constant 1024 : i32
    %broadcast_in_dim3A_34 = vector.broadcast %jit3A_33 : i32 to vector<64x1024xi32>
    %select_n3A_35 = arith.select %eq3A_32, %iota3A, %broadcast_in_dim3A_34 : vector<64x1024xi1>, vector<64x1024xi32>
    %reduce_min3A_36 = arith.constant dense<2147483647> : vector<64xi32>
    %reduce_min3A_37 = vector.multi_reduction <minsi>, %select_n3A_35, %reduce_min3A_36 [1] : vector<64x1024xi32> to vector<64xi32>
    %broadcast_in_dim3A_38 = vector.shape_cast %reduce_min3A_37 : vector<64xi32> to vector<64x1xi32>
    %concatenate3A = tpu.concatenate %broadcast_in_dim3A_6, %broadcast_in_dim3A_22, %broadcast_in_dim3A_38 in 1 : vector<64x1xi32>, vector<64x1xi32>, vector<64x1xi32> -> vector<64x3xi32>
    %swap3A = arith.constant 0 : index
    %swap3A_39 = arith.constant 0 : index
    %swap3A_40 = vector.load %arg1[%swap3A, %swap3A_39] : memref<64x3xi32, #tpu.memory_space<vmem>>, vector<64x3xi32>
    tpu.vector_store %arg1[%swap3A, %swap3A_39], %concatenate3A {strides = array<i32>} : memref<64x3xi32, #tpu.memory_space<vmem>>, vector<64x3xi32>,
    return
  }
}

</mosaic_0001>

<sc_bundles>
// kernel: kernel.5.cloned.1.call-start
scs
__scs_entry_jumppad:
0x0: {  	(pc) =	sbr.rel $0x88, $3  }
0x1: {  	(tag) =	ssettag $0x0;
	lr =	simm.s32 $0x1  }
0x2: {  	[smem:$0x3F94] =	sst lr;
	_ =	strace $0xD0000000  }
0x3: {  	_ = 	snop  }
0x4: {  	_ = 	snop  }
0x5: {  	_ = 	snop  }
0x6: {  	_ = 	snop  }
0x7: {  	_ = 	snop  }
__scs_overlays_trampoline_lowered:
0x8: {  	[smem:$0x3FA3] =	sst s0  }
0x9: {  	[smem:$0x3FA4] =	sst s1  }
0xa: {  	[smem:$0x3FA5] =	sst s2  }
0xb: {  	[smem:$0x3FA6] =	sst s3  }
0xc: {  	[smem:$0x3FA7] =	sst s4  }
0xd: {  	[smem:$0x3FA8] =	sst s5  }
0xe: {  	[smem:$0x3FA9] =	sst s6  }
0xf: {  	[smem:$0x3FAA] =	sst s7  }
0x10: {  	[smem:$0x3FAB] =	sst s8  }
0x11: {  	[smem:$0x3FAC] =	sst s9;
	s0 =	simm.s32 @!p0 $0x0  }
0x12: {  	s1 =	sld [smem:$0x3F92];
	s0 =	simm.s32 @p0 $0x1  }
0x13: {  	[smem:$0x3FAD] =	sst s0;
	s0 =	simm.s32 @!p1 $0x0  }
0x14: {  	s2 =	sld [smem:$0x3F91];
	s0 =	simm.s32 @p1 $0x1  }
0x15: {  	[smem:$0x3FAE] =	sst s0;
	s0 =	simm.s32 @!p2 $0x0  }
0x16: {  	s3 =	sld [smem:$0x3FDB];
	s0 =	simm.s32 @p2 $0x1  }
0x17: {  	s4 =	simm.s32 $0x1BF5;
	[smem:$0x3FB0] =	sst s0  }
0x18: {  	s0 =	sld [smem:$0x3F93];
	_ =	swait.ge [sflag:s4], $0x0  }
0x19: {  	s7 =	sld [smem:$0x3F94]  }
0x1a: {  	s8 =	sadd.s32 $0xFFFFE003, lr  }
0x1b: {  	s9 =	sadd.s32 $0xFFFFFEF7, lr;
	s5 =	simm.s32 $0xFFFFFFFF;
	p2 =	slt.u32 s8, $0xFFFFF086  }
0x1c: {  	p1 =	slt.u32 s9, $0xF7A;
	s5 =	simm.s32 @!p2 $0x0  }
0x1d: {  	s5 =	simm.s32 @p1 $0x1;
	p0 =	seq.s32 s7, s2  }
0x1e: {  	s7 =	smul.u32 @!p0 $0xF7A, s2;
	p2 =	seq.s32 @!p0 s5, $0x0  }
0x1f: {  	s9 =	smul.u32 $0xF7A, s1;
	s8 =	simm.s32 @!p0 $0x1BF5;
	p2 =	por !p2, p0  }
0x20: {  	[sflag:s8] =	ssyncset.s32 @!p0 $0xFFFFF086;
	s6 =	sadd.s32 @!p0 s3, s7;
	s7 =	simm.s32 @!p0 $0x108  }
0x21: {  	s3 =	sadd.s32 s3, s9;
	s6 =	sadd.s32 @!p0 $0x88, s6;
	s7 =	simm.s32 @p2 $0x1082  }
0x22: {  	[simem:s7], [sflag:s8] =	dma.local @!p0 [hbm:s6], $0xF7A  }
0x23: {  	s9 =	sor.u32 $0xD0000000, s2;
	s6 =	simm.s32 $0x108;
	_ =	swait.ge @!p0 [sflag:s8], $0x0  }
0x24: {  	s3 =	sadd.s32 $0x88, s3;
	s6 =	simm.s32 @!p1 $0x1082;
	[sflag:s4] =	ssyncset.s32 $0xFFFFF086  }
0x25: {  	[simem:s6], [sflag:s4] =	dma.local [hbm:s3], $0xF7A  }
0x26: {  	[smem:$0x3F94] =	sst s1;
	(tag) =	ssettag s2;
	_ =	strace s9  }
0x27: {  	s1 =	sld [smem:$0x3FA4]  }
0x28: {  	s2 =	sld [smem:$0x3FA5]  }
0x29: {  	s4 =	sld [smem:$0x3FA7]  }
0x2a: {  	p0 =	seq.s32 s5, $0x0;
	s5 =	sld [smem:$0x3FA8]  }
0x2b: {  	s6 =	sld [smem:$0x3FA9]  }
0x2c: {  	s7 =	sld [smem:$0x3FAA]  }
0x2d: {  	s3 =	simm.s32 $0x108;
	s8 =	sld [smem:$0x3FAB]  }
0x2e: {  	s3 =	simm.s32 @!p0 $0x1082;
	s9 =	sld [smem:$0x3FAC]  }
0x2f: {  	lr =	sadd.s32 s0, s3;
	s0 =	sld [smem:$0x3FA3]  }
0x30: {  	s3 =	sld [smem:$0x3FA6]  }
0x31: {  	[smem:$0x3FAF] =	sst s10  }
0x32: {  	s10 =	sld [smem:$0x3FAD];
	_ =	sdelay $0x3  }
0x33: {  	p0 =	seq.s32 s10, $0x1;
	s10 =	sld [smem:$0x3FAF];
	_ =	sdelay $0x3  }
0x34: {  	[smem:$0x3FAF] =	sst s10  }
0x35: {  	s10 =	sld [smem:$0x3FAE];
	_ =	sdelay $0x3  }
0x36: {  	p1 =	seq.s32 s10, $0x1;
	s10 =	sld [smem:$0x3FAF];
	_ =	sdelay $0x3  }
0x37: {  	[smem:$0x3FAF] =	sst s10  }
0x38: {  	s10 =	sld [smem:$0x3FB0]  }
0x39: {  	_ = 	snop;
	(pc) =	sbr.ind lr, $3  }
0x3a: {  	_ = 	snop  }
0x3b: {  	_ = 	snop  }
0x3c: {  	p2 =	seq.s32 s10, $0x1;
	s10 =	sld [smem:$0x3FAF]  }
0x3d: {  	_ =	shalt  }
0x3e: {  	_ =	shalt  }
0x3f: {  	_ =	shalt  }
0x40: {  	_ =	shalt  }
0x41: {  	_ =	shalt  }
0x42: {  	_ =	shalt  }
0x43: {  	_ =	shalt  }
0x44: {  	_ =	shalt  }
0x45: {  	_ =	shalt  }
0x46: {  	_ =	shalt  }
0x47: {  	_ =	shalt  }
0x48: {  	_ =	shalt  }
0x49: {  	_ =	shalt  }
0x4a: {  	_ =	shalt  }
0x4b: {  	_ =	shalt  }
0x4c: {  	_ =	shalt  }
0x4d: {  	_ =	shalt  }
0x4e: {  	_ =	shalt  }
0x4f: {  	_ =	shalt  }
0x50: {  	_ =	shalt  }
0x51: {  	_ =	shalt  }
0x52: {  	_ =	shalt  }
0x53: {  	_ =	shalt  }
0x54: {  	_ =	shalt  }
0x55: {  	_ =	shalt  }
0x56: {  	_ =	shalt  }
0x57: {  	_ =	shalt  }
0x58: {  	_ =	shalt  }
0x59: {  	_ =	shalt  }
0x5a: {  	_ =	shalt  }
0x5b: {  	_ =	shalt  }
0x5c: {  	_ =	shalt  }
0x5d: {  	_ =	shalt  }
0x5e: {  	_ =	shalt  }
0x5f: {  	_ =	shalt  }
0x60: {  	_ =	shalt  }
0x61: {  	_ =	shalt  }
0x62: {  	_ =	shalt  }
0x63: {  	_ =	shalt  }
0x64: {  	_ =	shalt  }
0x65: {  	_ =	shalt  }
0x66: {  	_ =	shalt  }
0x67: {  	_ =	shalt  }
0x68: {  	_ =	shalt  }
0x69: {  	_ =	shalt  }
0x6a: {  	_ =	shalt  }
0x6b: {  	_ =	shalt  }
0x6c: {  	_ =	shalt  }
0x6d: {  	_ =	shalt  }
0x6e: {  	_ =	shalt  }
0x6f: {  	_ =	shalt  }
0x70: {  	_ =	shalt  }
0x71: {  	_ =	shalt  }
0x72: {  	_ =	shalt  }
0x73: {  	_ =	shalt  }
0x74: {  	_ =	shalt  }
0x75: {  	_ =	shalt  }
0x76: {  	_ =	shalt  }
0x77: {  	_ =	shalt  }
0x78: {  	_ =	shalt  }
0x79: {  	_ =	shalt  }
0x7a: {  	_ =	shalt  }
0x7b: {  	_ =	shalt  }
0x7c: {  	_ =	shalt  }
0x7d: {  	_ =	shalt  }
0x7e: {  	_ =	shalt  }
0x7f: {  	_ =	shalt  }
0x80: {  	_ =	shalt  }
0x81: {  	_ =	shalt  }
0x82: {  	_ =	shalt  }
0x83: {  	_ =	shalt  }
0x84: {  	_ =	shalt  }
0x85: {  	_ =	shalt  }
0x86: {  	_ =	shalt  }
0x87: {  	_ =	shalt  }
.Lfunc_end0:
.L_simem_size_0:
called_computation_lowered:
.L_overlay_start_0:
0x88: {  	s2 =	sld [smem:$0x3FD9]  }
0x89: {  	s3 =	sld [smem:$0x3FFE];
	_ =	sdelay $0x1  }
0x8a: {  	s1 =	srdreg.scid  }
0x8b: {  	s0 =	sand.u32 $0x1, s1  }
0x8c: {  	s14 =	sshll.u32 s0, $0xA;
	s2 =	sadd.s32 s3, s2  }
0x8d: {  	s2 =	sadd.s32 s2, s14  }
0x8e: {  	[smem:$0x3FBB] =	sst s2  }
0x8f: {  	_ = 	snop  }
0x90: {  	s2 =	sld [smem:$0x3FD0];
	_ =	sdelay $0x2  }
0x91: {  	s15 =	simm.s32 $0xA;
	s4 =	simm.s32 $0x10  }
0x92: {  	[smem:s4], [sflag:s15] =	dma.local [hbm:s2], $0x1  }
0x93: {  	_ =	swait.eq [sflag:s15], $0x1  }
0x94: {  	[sflag:s15] =	ssyncset.done $0x0  }
0x95: {  	[sflag:s15] =	ssyncadd.s32 $0xFFFFFFFF  }
0x96: {  	s16 =	sld [smem:$0x11];
	(tm) =	ssettm $0x1  }
0x97: {  	s17 =	sld [smem:$0x3FFB];
	_ =	sdelay $0x3  }
0x98: {  	_ =	strace s17  }
0x99: {  	s3 =	sld [smem:$0x3FFC];
	_ =	sdelay $0x3  }
0x9a: {  	_ =	strace s3  }
0x9b: {  	s3 =	sld [smem:$0x3FFD];
	_ =	sdelay $0x3  }
0x9c: {  	_ =	strace s3  }
0x9d: {  	_ =	strace $0x8FFFFFFF  }
0x9e: {  	s18 =	sld [smem:$0x3FDB];
	_ =	sdelay $0x1  }
0x9f: {  	s19 =	simm.s32 $_scs_section_size  }
0xa0: {  	s5 =	simm.s32 $_size__tile_overlayer_lowered;
	s6 =	simm.s32 $_tile_overlayer_lowered  }
0xa1: {  	s22 =	simm.s32 $0x1BFF;
	s21 =	sshll.u32 s6, $0x1;
	s3 =	sadd.s32 s19, s18  }
0xa2: {  	s7 =	simm.s32 $0x0;
	s20 =	sshll.u32 s5, $0x1;
	s5 =	sadd.s32 s21, s3  }
0xa3: {  	[timem:s7], [sflag:s22] =	dma.local [hbm:s5], s20  }
0xa4: {  	_ =	swait.ge [sflag:s22], s20  }
0xa5: {  	s4 =	ssub.s32 $0x0, s20;
	[sflag:s22] =	ssyncset.done $0x0  }
0xa6: {  	[sflag:s22] =	ssyncadd.s32 s4;
	_ =	sdelay $0x1  }
0xa7: {  	s23 =	simm.s32 $0x1B8B  }
0xa8: {  	_ =	swait.ge [sflag:s23], $0x1  }
0xa9: {  	[sflag:s23] =	ssyncset.done $0x0  }
0xaa: {  	s25 =	simm.s32 $0x1B8E;
	s24 =	sld [smem:$0x3FFE];
	[sflag:s23] =	ssyncadd.s32 $0xFFFFFFFF  }
0xab: {  	s26 =	simm.s32 $execute0_lowered;
	[smem:$0x3FD2] =	sst s25  }
0xac: {  	s5 =	sshll.u32 s26, $0x1;
	_ =	strace $0x80000046;
	[dreg:$0x1] =	wrdreg $0xFFFFFFFF  }
0xad: {  	s28 =	simm.s32 $_size_execute0_lowered;
	s3 =	sadd.s32 s3, s5;
	[dreg:$0x0] =	wrdreg $0x0  }
0xae: {  	s5 =	sshll.u32 s28, $0x1;
	[dreg:$0x2] =	wrdreg s3  }
0xaf: {  	[dreg:$0x3] =	wrdreg s5  }
0xb0: {  	[dreg:$0x4] =	wrdreg $0xC0  }
0xb1: {  	_ =	task [dreg:s7], $0x5FFFF  }
0xb2: {  	[dreg:$0x1] =	wrdreg $0xFFFFFFFF  }
0xb3: {  	[dreg:$0x0] =	wrdreg $0x60  }
0xb4: {  	[dreg:$0x2] =	wrdreg s24  }
0xb5: {  	[dreg:$0x3] =	wrdreg s16  }
0xb6: {  	[dreg:$0x4] =	wrdreg $0x9  }
0xb7: {  	_ =	task.clear_ibuf [dreg:s7], $0x5FFFF;
	_ =	strace $0x90000046  }
0xb8: {  	s29 =	simm.s32 $0x9;
	_ =	strace $0x80000048  }
0xb9: {  	_ =	swait.ge [sflag:s29], $0x1  }
0xba: {  	[sflag:s29] =	ssyncadd.s32 $0xFFFFFFFF  }
0xbb: {  	_ =	strace $0x90000048  }
0xbc: {  	_ =	sfence  }
0xbd: {  	s30 =	sld [smem:$0x0];
	_ =	sdelay $0x2  }
0xbe: {  	s31 =	sshll.u32 s1, $0xD;
	s1 =	sshrl.u32 s1, $0x2  }
0xbf: {  	s3 =	sand.u32 $0x4000, s31;
	s1 =	sadd.s32 s1, s30  }
0xc0: {  	s0 =	sor.u32 s3, s0;
	s1 =	sshll.u32 s1, $0x11  }
0xc1: {  	s0 =	sor.u32 s1, s0  }
0xc2: {  	s0 =	sadd.s32 $0x8F2B, s0  }
0xc3: {  	[sflag:s0] =	ssyncadd.remote.s32 $0x1  }
0xc4: {  	_ =	sfence.sel $0xFFFF  }
0xc5: {  	[dreg:$0x0] =	wrdreg $0xFFFFFFFF;
	(pc) =	sbr.abs _section_cstart, $3  }
0xc6: {  	[dreg:$0x1] =	wrdreg $0xFFFFFFFF  }
0xc7: {  	_ =	task.clear_ibuf [dreg:s7], $0x2FFFF;
	_ =	strace $0x9FFFFFFF  }
0xc8: {  	(tm) =	ssettm $0x7FFFFFFF  }
0xc9: {  	_ =	shalt  }
tec
execute0_lowered:
.L_overlay_start_1:
0x0: {  	(tag) =	ssettag $0x1  }
0x1: {  	s1 =	srdreg.scid;
	s4 =	rddreg [dreg:$0x0]  }
0x2: {  	s0 =	stileid.u32;
	s5 =	rddreg [dreg:$0x1]  }
0x3: {  	s10 =	simm.s32 $0x1880;
	s11 =	simm.s32 $0x2080;
	s12 =	simm.s32 $0x2880  }
0x4: {  	s13 =	simm.s32 $0x3080;
	s14 =	simm.s32 $0x3880;
	s15 =	simm.s32 $0x4080  }
0x5: {  	s16 =	simm.s32 $0x4880;
	s17 =	simm.s32 $0x5080;
	s18 =	simm.s32 $0x5880  }
0x6: {  	s19 =	simm.s32 $0x6080;
	s28 =	simm.s32 $0xA080;
	s29 =	simm.s32 $0xA880  }
0x7: {  	s30 =	simm.s32 $0xB080;
	s1 =	sand.u32 $0x1, s1;
	s2 =	sshll.u32 s0, $0x1  }
0x8: {  	s31 =	simm.s32 $0xB880;
	s9 =	sadd.s32 $0x2D2000, s4;
	s3 =	sor.u32 s1, s2  }
0x9: {  	s2 =	simm.s32 $0x0;
	s1 =	ssub.s32 $0x2, s1;
	s6 =	smul.u32 $0x120, s3  }
0xa: {  	[smem:$0x7FF] =	sst s2;
	s8 =	smul.u32 $0x4800, s3;
	s3 =	sadd.s32 $0x2000, s4  }
0xb: {  	s25 =	sshrl.u32 s1, $0x1;
	s4 =	sadd.s32 $0x2100, s4;
	_ =	strace $0x80000047  }
0xc: {  	s1 =	ssub.s32 s1, s25;
	s25 =	simm.s32 $0x9080;
	s7 =	sshrl.u32 s6, $0x3  }
0xd: {  	s20 =	sadd.s32 s9, s8;
	s21 =	sadd.s32 $0x60, s6;
	s6 =	sadd.s32 $0xC0, s6  }
0xe: {  	s7 =	sadd.s32 s5, s7;
	[dreg:$0x4] =	wrdreg s20;
	s22 =	sshrl.u32 s21, $0x3  }
0xf: {  	s8 =	sshll.u32 s21, $0x6;
	s24 =	sshrl.u32 s6, $0x3;
	s6 =	sshll.u32 s6, $0x6  }
0x10: {  	s20 =	simm.s32 $0x6880;
	s21 =	simm.s32 $0x7080;
	[dreg:$0x3] =	wrdreg s7  }
0x11: {  	s7 =	sadd.s32 s5, s22;
	s23 =	sadd.s32 s9, s8;
	s5 =	sadd.s32 s5, s24  }
0x12: {  	s26 =	sadd.s32 s9, s6;
	s6 =	simm.s32 $0x2;
	[dreg:$0x5] =	wrdreg s7  }
0x13: {  	s8 =	simm.s32 $0x880;
	s9 =	simm.s32 $0x1080;
	[dreg:$0x6] =	wrdreg s23  }
0x14: {  	v2 =	vlaneseq.u32;
	s22 =	simm.s32 $0x7880;
	s24 =	simm.s32 $0x8880;
	[dreg:$0x7] =	wrdreg s5  }
0x15: {  	vm0 =	vmmov $0xffff;
	v1 =	vshrl.u32 v2, $0x3;
	[dreg:$0x8] =	wrdreg s26;
	s5 =	smax.u32 s1, $0x1;
	s7 =	simm.s32 $0x80  }
0x16: {  	v0 =	vand.u32 $0x7, v2;
	v2 =	vor.u32 $0x8, v2;
	v1 =	vmul.u32 $0x8, v1;
	s23 =	simm.s32 $0x8080;
	s26 =	simm.s32 $0x9880;
	s1 =	simm.s32 $0x1  }
.LBB2_1:
0x17: {  	s0 =	rddreg [dreg:$0x3]  }
0x18: {  	[tilespmem:s2], [sflag:$0x2] =	stream.linear.gather [hbm4b:s0+s2], $0x60, $0x38;
	[tilespmem:$0xC080] =	vst v63  }
0x19: {  	_ =	swait.ge [sflag:s6], $0x60  }
0x1a: {  	[sflag:s6] =	ssyncset.done $0x0  }
0x1b: {  	[sflag:s6] =	ssyncadd.s32 $0xFFFFFFA0  }
0x1c: {  	v3 =	vld [tilespmem:$0x0];
	_ =	sdelay $0x4  }
0x1d: {  	v4 =	vshll.u32 v3, $0x2  }
0x1e: {  	v3 =	vand.u32 $0x7, v3;
	v4 =	vand.u32 $0xFFFFFFE0, v4  }
0x1f: {  	v3 =	vor.u32 v3, v4  }
0x20: {  	v4 =	vperm.xlane v3, v0;
	_ =	sdelay $0x1  }
0x21: {  	v4 =	vadd.s32 v1, v4;
	_ =	sdelay $0x1  }
0x22: {  	v3 =	vperm.xlane v3, v2;
	_ =	sdelay $0x1  }
0x23: {  	v3 =	vadd.s32 v1, v3  }
0x24: {  	[tilespmem:s7], [sflag:$0x1] =	stream.indirect_vreg.gather [hbm4b:s3+s2], $0x80, v4, vm0, $0xb8;
	[tilespmem:$0xC080] =	vst v63  }
0x25: {  	_ = 	snop  }
0x26: {  	[tilespmem:s8], [sflag:$0x1] =	stream.indirect_vreg.gather [hbm4b:s4+s2], $0x80, v4, vm0, $0xb8;
	[tilespmem:$0xC080] =	vst v63  }
0x27: {  	_ = 	snop  }
0x28: {  	[tilespmem:s9], [sflag:$0x1] =	stream.indirect_vreg.gather [hbm4b:s3+s2], $0x80, v3, vm0, $0xb8;
	[tilespmem:$0xC080] =	vst v63  }
0x29: {  	_ = 	snop  }
0x2a: {  	[tilespmem:s10], [sflag:$0x1] =	stream.indirect_vreg.gather [hbm4b:s4+s2], $0x80, v3, vm0, $0xb8;
	[tilespmem:$0xC080] =	vst v63  }
0x2b: {  	v3 =	vld [tilespmem:$0x10];
	_ =	sdelay $0x4  }
0x2c: {  	v47 =	vshll.u32 v3, $0x2  }
0x2d: {  	v3 =	vand.u32 $0x7, v3;
	v4 =	vand.u32 $0xFFFFFFE0, v47  }
0x2e: {  	v3 =	vor.u32 v3, v4  }
0x2f: {  	v4 =	vperm.xlane v3, v0;
	_ =	sdelay $0x1  }
0x30: {  	v4 =	vadd.s32 v1, v4;
	_ =	sdelay $0x1  }
0x31: {  	v3 =	vperm.xlane v3, v2;
	_ =	sdelay $0x1  }
0x32: {  	v3 =	vadd.s32 v1, v3  }
0x33: {  	[tilespmem:s11], [sflag:$0x1] =	stream.indirect_vreg.gather [hbm4b:s3+s2], $0x80, v4, vm0, $0xb8;
	[tilespmem:$0xC080] =	vst v63  }
0x34: {  	_ = 	snop  }
0x35: {  	[tilespmem:s12], [sflag:$0x1] =	stream.indirect_vreg.gather [hbm4b:s4+s2], $0x80, v4, vm0, $0xb8;
	[tilespmem:$0xC080] =	vst v63  }
0x36: {  	_ = 	snop  }
0x37: {  	[tilespmem:s13], [sflag:$0x1] =	stream.indirect_vreg.gather [hbm4b:s3+s2], $0x80, v3, vm0, $0xb8;
	[tilespmem:$0xC080] =	vst v63  }
0x38: {  	_ = 	snop  }
0x39: {  	[tilespmem:s14], [sflag:$0x1] =	stream.indirect_vreg.gather [hbm4b:s4+s2], $0x80, v3, vm0, $0xb8;
	[tilespmem:$0xC080] =	vst v63  }
0x3a: {  	v3 =	vld [tilespmem:$0x20];
	_ =	sdelay $0x4  }
0x3b: {  	v48 =	vshll.u32 v3, $0x2  }
0x3c: {  	v3 =	vand.u32 $0x7, v3;
	v4 =	vand.u32 $0xFFFFFFE0, v48  }
0x3d: {  	v3 =	vor.u32 v3, v4  }
0x3e: {  	v4 =	vperm.xlane v3, v0;
	_ =	sdelay $0x1  }
0x3f: {  	v4 =	vadd.s32 v1, v4;
	_ =	sdelay $0x1  }
0x40: {  	v3 =	vperm.xlane v3, v2;
	_ =	sdelay $0x1  }
0x41: {  	v3 =	vadd.s32 v1, v3  }
0x42: {  	[tilespmem:s15], [sflag:$0x1] =	stream.indirect_vreg.gather [hbm4b:s3+s2], $0x80, v4, vm0, $0xb8;
	[tilespmem:$0xC080] =	vst v63  }
0x43: {  	_ = 	snop  }
0x44: {  	[tilespmem:s16], [sflag:$0x1] =	stream.indirect_vreg.gather [hbm4b:s4+s2], $0x80, v4, vm0, $0xb8;
	[tilespmem:$0xC080] =	vst v63  }
0x45: {  	_ = 	snop  }
0x46: {  	[tilespmem:s17], [sflag:$0x1] =	stream.indirect_vreg.gather [hbm4b:s3+s2], $0x80, v3, vm0, $0xb8;
	[tilespmem:$0xC080] =	vst v63  }
0x47: {  	_ = 	snop  }
0x48: {  	[tilespmem:s18], [sflag:$0x1] =	stream.indirect_vreg.gather [hbm4b:s4+s2], $0x80, v3, vm0, $0xb8;
	[tilespmem:$0xC080] =	vst v63  }
0x49: {  	v3 =	vld [tilespmem:$0x30];
	_ =	sdelay $0x4  }
0x4a: {  	v49 =	vshll.u32 v3, $0x2  }
0x4b: {  	v3 =	vand.u32 $0x7, v3;
	v4 =	vand.u32 $0xFFFFFFE0, v49  }
0x4c: {  	v3 =	vor.u32 v3, v4  }
0x4d: {  	v4 =	vperm.xlane v3, v0;
	_ =	sdelay $0x1  }
0x4e: {  	v4 =	vadd.s32 v1, v4;
	_ =	sdelay $0x1  }
0x4f: {  	v3 =	vperm.xlane v3, v2;
	_ =	sdelay $0x1  }
0x50: {  	v3 =	vadd.s32 v1, v3  }
0x51: {  	[tilespmem:s19], [sflag:$0x1] =	stream.indirect_vreg.gather [hbm4b:s3+s2], $0x80, v4, vm0, $0xb8;
	[tilespmem:$0xC080] =	vst v63  }
0x52: {  	_ = 	snop  }
0x53: {  	[tilespmem:s20], [sflag:$0x1] =	stream.indirect_vreg.gather [hbm4b:s4+s2], $0x80, v4, vm0, $0xb8;
	[tilespmem:$0xC080] =	vst v63  }
0x54: {  	_ = 	snop  }
0x55: {  	[tilespmem:s21], [sflag:$0x1] =	stream.indirect_vreg.gather [hbm4b:s3+s2], $0x80, v3, vm0, $0xb8;
	[tilespmem:$0xC080] =	vst v63  }
0x56: {  	_ = 	snop  }
0x57: {  	[tilespmem:s22], [sflag:$0x1] =	stream.indirect_vreg.gather [hbm4b:s4+s2], $0x80, v3, vm0, $0xb8;
	[tilespmem:$0xC080] =	vst v63  }
0x58: {  	v3 =	vld [tilespmem:$0x40];
	_ =	sdelay $0x4  }
0x59: {  	v50 =	vshll.u32 v3, $0x2  }
0x5a: {  	v3 =	vand.u32 $0x7, v3;
	v4 =	vand.u32 $0xFFFFFFE0, v50  }
0x5b: {  	v3 =	vor.u32 v3, v4  }
0x5c: {  	v4 =	vperm.xlane v3, v0;
	_ =	sdelay $0x1  }
0x5d: {  	v4 =	vadd.s32 v1, v4;
	_ =	sdelay $0x1  }
0x5e: {  	v3 =	vperm.xlane v3, v2;
	_ =	sdelay $0x1  }
0x5f: {  	v3 =	vadd.s32 v1, v3  }
0x60: {  	[tilespmem:s23], [sflag:$0x1] =	stream.indirect_vreg.gather [hbm4b:s3+s2], $0x80, v4, vm0, $0xb8;
	[tilespmem:$0xC080] =	vst v63  }
0x61: {  	_ = 	snop  }
0x62: {  	[tilespmem:s24], [sflag:$0x1] =	stream.indirect_vreg.gather [hbm4b:s4+s2], $0x80, v4, vm0, $0xb8;
	[tilespmem:$0xC080] =	vst v63  }
0x63: {  	_ = 	snop  }
0x64: {  	[tilespmem:s25], [sflag:$0x1] =	stream.indirect_vreg.gather [hbm4b:s3+s2], $0x80, v3, vm0, $0xb8;
	[tilespmem:$0xC080] =	vst v63  }
0x65: {  	_ = 	snop  }
0x66: {  	[tilespmem:s26], [sflag:$0x1] =	stream.indirect_vreg.gather [hbm4b:s4+s2], $0x80, v3, vm0, $0xb8;
	[tilespmem:$0xC080] =	vst v63  }
0x67: {  	v3 =	vld [tilespmem:$0x50];
	_ =	sdelay $0x4  }
0x68: {  	v51 =	vshll.u32 v3, $0x2  }
0x69: {  	v3 =	vand.u32 $0x7, v3;
	v4 =	vand.u32 $0xFFFFFFE0, v51  }
0x6a: {  	v3 =	vor.u32 v3, v4  }
0x6b: {  	v4 =	vperm.xlane v3, v0;
	_ =	sdelay $0x1  }
0x6c: {  	v4 =	vadd.s32 v1, v4;
	_ =	sdelay $0x1  }
0x6d: {  	v3 =	vperm.xlane v3, v2;
	_ =	sdelay $0x1  }
0x6e: {  	v3 =	vadd.s32 v1, v3  }
0x6f: {  	[tilespmem:s28], [sflag:$0x1] =	stream.indirect_vreg.gather [hbm4b:s3+s2], $0x80, v4, vm0, $0xb8;
	[tilespmem:$0xC080] =	vst v63  }
0x70: {  	_ = 	snop  }
0x71: {  	[tilespmem:s29], [sflag:$0x1] =	stream.indirect_vreg.gather [hbm4b:s4+s2], $0x80, v4, vm0, $0xb8;
	[tilespmem:$0xC080] =	vst v63  }
0x72: {  	_ = 	snop  }
0x73: {  	[tilespmem:s30], [sflag:$0x1] =	stream.indirect_vreg.gather [hbm4b:s3+s2], $0x80, v3, vm0, $0xb8;
	[tilespmem:$0xC080] =	vst v63  }
0x74: {  	_ = 	snop  }
0x75: {  	[tilespmem:s31], [sflag:$0x1] =	stream.indirect_vreg.gather [hbm4b:s4+s2], $0x80, v3, vm0, $0xb8;
	[tilespmem:$0xC080] =	vst v63  }
0x76: {  	_ =	swait.ge [sflag:s1], $0xC000  }
0x77: {  	[sflag:s1] =	ssyncset.done $0x0  }
0x78: {  	s0 =	rddreg [dreg:$0x4];
	[sflag:s1] =	ssyncadd.s32 $0xFFFF4000  }
0x79: {  	[hbm4b:s0+s2] =	stream.linear.scatter [tilespmem:s7], [sflag:$0x2], $0xC000, $0x38;
	[tilespmem:$0xC080] =	vst v63  }
0x7a: {  	_ =	swait.ge [sflag:s6], $0xC000  }
0x7b: {  	[sflag:s6] =	ssyncset.done $0x0  }
0x7c: {  	s0 =	rddreg [dreg:$0x5];
	[sflag:s6] =	ssyncadd.s32 $0xFFFF4000  }
0x7d: {  	[tilespmem:s2], [sflag:$0x2] =	stream.linear.gather [hbm4b:s0+s2], $0x60, $0x38;
	[tilespmem:$0xC080] =	vst v63  }
0x7e: {  	_ =	swait.ge [sflag:s6], $0x60  }
0x7f: {  	[sflag:s6] =	ssyncset.done $0x0  }
0x80: {  	[sflag:s6] =	ssyncadd.s32 $0xFFFFFFA0  }
0x81: {  	v3 =	vld [tilespmem:$0x0];
	_ =	sdelay $0x4  }
0x82: {  	v52 =	vshll.u32 v3, $0x2  }
0x83: {  	v3 =	vand.u32 $0x7, v3;
	v4 =	vand.u32 $0xFFFFFFE0, v52  }
0x84: {  	v3 =	vor.u32 v3, v4  }
0x85: {  	v4 =	vperm.xlane v3, v0;
	_ =	sdelay $0x1  }
0x86: {  	v4 =	vadd.s32 v1, v4;
	_ =	sdelay $0x1  }
0x87: {  	v3 =	vperm.xlane v3, v2;
	_ =	sdelay $0x1  }
0x88: {  	v3 =	vadd.s32 v1, v3  }
0x89: {  	[tilespmem:s7], [sflag:$0x1] =	stream.indirect_vreg.gather [hbm4b:s3+s2], $0x80, v4, vm0, $0xb8;
	[tilespmem:$0xC080] =	vst v63  }
0x8a: {  	_ = 	snop  }
0x8b: {  	[tilespmem:s8], [sflag:$0x1] =	stream.indirect_vreg.gather [hbm4b:s4+s2], $0x80, v4, vm0, $0xb8;
	[tilespmem:$0xC080] =	vst v63  }
0x8c: {  	_ = 	snop  }
0x8d: {  	[tilespmem:s9], [sflag:$0x1] =	stream.indirect_vreg.gather [hbm4b:s3+s2], $0x80, v3, vm0, $0xb8;
	[tilespmem:$0xC080] =	vst v63  }
0x8e: {  	_ = 	snop  }
0x8f: {  	[tilespmem:s10], [sflag:$0x1] =	stream.indirect_vreg.gather [hbm4b:s4+s2], $0x80, v3, vm0, $0xb8;
	[tilespmem:$0xC080] =	vst v63  }
0x90: {  	v3 =	vld [tilespmem:$0x10];
	_ =	sdelay $0x4  }
0x91: {  	v53 =	vshll.u32 v3, $0x2  }
0x92: {  	v3 =	vand.u32 $0x7, v3;
	v4 =	vand.u32 $0xFFFFFFE0, v53  }
0x93: {  	v3 =	vor.u32 v3, v4  }
0x94: {  	v4 =	vperm.xlane v3, v0;
	_ =	sdelay $0x1  }
0x95: {  	v4 =	vadd.s32 v1, v4;
	_ =	sdelay $0x1  }
0x96: {  	v3 =	vperm.xlane v3, v2;
	_ =	sdelay $0x1  }
0x97: {  	v3 =	vadd.s32 v1, v3  }
0x98: {  	[tilespmem:s11], [sflag:$0x1] =	stream.indirect_vreg.gather [hbm4b:s3+s2], $0x80, v4, vm0, $0xb8;
	[tilespmem:$0xC080] =	vst v63  }
0x99: {  	_ = 	snop  }
0x9a: {  	[tilespmem:s12], [sflag:$0x1] =	stream.indirect_vreg.gather [hbm4b:s4+s2], $0x80, v4, vm0, $0xb8;
	[tilespmem:$0xC080] =	vst v63  }
0x9b: {  	_ = 	snop  }
0x9c: {  	[tilespmem:s13], [sflag:$0x1] =	stream.indirect_vreg.gather [hbm4b:s3+s2], $0x80, v3, vm0, $0xb8;
	[tilespmem:$0xC080] =	vst v63  }
0x9d: {  	_ = 	snop  }
0x9e: {  	[tilespmem:s14], [sflag:$0x1] =	stream.indirect_vreg.gather [hbm4b:s4+s2], $0x80, v3, vm0, $0xb8;
	[tilespmem:$0xC080] =	vst v63  }
0x9f: {  	v3 =	vld [tilespmem:$0x20];
	_ =	sdelay $0x4  }
0xa0: {  	v54 =	vshll.u32 v3, $0x2  }
0xa1: {  	v3 =	vand.u32 $0x7, v3;
	v4 =	vand.u32 $0xFFFFFFE0, v54  }
0xa2: {  	v3 =	vor.u32 v3, v4  }
0xa3: {  	v4 =	vperm.xlane v3, v0;
	_ =	sdelay $0x1  }
0xa4: {  	v4 =	vadd.s32 v1, v4;
	_ =	sdelay $0x1  }
0xa5: {  	v3 =	vperm.xlane v3, v2;
	_ =	sdelay $0x1  }
0xa6: {  	v3 =	vadd.s32 v1, v3  }
0xa7: {  	[tilespmem:s15], [sflag:$0x1] =	stream.indirect_vreg.gather [hbm4b:s3+s2], $0x80, v4, vm0, $0xb8;
	[tilespmem:$0xC080] =	vst v63  }
0xa8: {  	_ = 	snop  }
0xa9: {  	[tilespmem:s16], [sflag:$0x1] =	stream.indirect_vreg.gather [hbm4b:s4+s2], $0x80, v4, vm0, $0xb8;
	[tilespmem:$0xC080] =	vst v63  }
0xaa: {  	_ = 	snop  }
0xab: {  	[tilespmem:s17], [sflag:$0x1] =	stream.indirect_vreg.gather [hbm4b:s3+s2], $0x80, v3, vm0, $0xb8;
	[tilespmem:$0xC080] =	vst v63  }
0xac: {  	_ = 	snop  }
0xad: {  	[tilespmem:s18], [sflag:$0x1] =	stream.indirect_vreg.gather [hbm4b:s4+s2], $0x80, v3, vm0, $0xb8;
	[tilespmem:$0xC080] =	vst v63  }
0xae: {  	v3 =	vld [tilespmem:$0x30];
	_ =	sdelay $0x4  }
0xaf: {  	v55 =	vshll.u32 v3, $0x2  }
0xb0: {  	v3 =	vand.u32 $0x7, v3;
	v4 =	vand.u32 $0xFFFFFFE0, v55  }
0xb1: {  	v3 =	vor.u32 v3, v4  }
0xb2: {  	v4 =	vperm.xlane v3, v0;
	_ =	sdelay $0x1  }
0xb3: {  	v4 =	vadd.s32 v1, v4;
	_ =	sdelay $0x1  }
0xb4: {  	v3 =	vperm.xlane v3, v2;
	_ =	sdelay $0x1  }
0xb5: {  	v3 =	vadd.s32 v1, v3  }
0xb6: {  	[tilespmem:s19], [sflag:$0x1] =	stream.indirect_vreg.gather [hbm4b:s3+s2], $0x80, v4, vm0, $0xb8;
	[tilespmem:$0xC080] =	vst v63  }
0xb7: {  	_ = 	snop  }
0xb8: {  	[tilespmem:s20], [sflag:$0x1] =	stream.indirect_vreg.gather [hbm4b:s4+s2], $0x80, v4, vm0, $0xb8;
	[tilespmem:$0xC080] =	vst v63  }
0xb9: {  	_ = 	snop  }
0xba: {  	[tilespmem:s21], [sflag:$0x1] =	stream.indirect_vreg.gather [hbm4b:s3+s2], $0x80, v3, vm0, $0xb8;
	[tilespmem:$0xC080] =	vst v63  }
0xbb: {  	_ = 	snop  }
0xbc: {  	[tilespmem:s22], [sflag:$0x1] =	stream.indirect_vreg.gather [hbm4b:s4+s2], $0x80, v3, vm0, $0xb8;
	[tilespmem:$0xC080] =	vst v63  }
0xbd: {  	v3 =	vld [tilespmem:$0x40];
	_ =	sdelay $0x4  }
0xbe: {  	v56 =	vshll.u32 v3, $0x2  }
0xbf: {  	v3 =	vand.u32 $0x7, v3;
	v4 =	vand.u32 $0xFFFFFFE0, v56  }
0xc0: {  	v3 =	vor.u32 v3, v4  }
0xc1: {  	v4 =	vperm.xlane v3, v0;
	_ =	sdelay $0x1  }
0xc2: {  	v4 =	vadd.s32 v1, v4;
	_ =	sdelay $0x1  }
0xc3: {  	v3 =	vperm.xlane v3, v2;
	_ =	sdelay $0x1  }
0xc4: {  	v3 =	vadd.s32 v1, v3  }
0xc5: {  	[tilespmem:s23], [sflag:$0x1] =	stream.indirect_vreg.gather [hbm4b:s3+s2], $0x80, v4, vm0, $0xb8;
	[tilespmem:$0xC080] =	vst v63  }
0xc6: {  	_ = 	snop  }
0xc7: {  	[tilespmem:s24], [sflag:$0x1] =	stream.indirect_vreg.gather [hbm4b:s4+s2], $0x80, v4, vm0, $0xb8;
	[tilespmem:$0xC080] =	vst v63  }
0xc8: {  	_ = 	snop  }
0xc9: {  	[tilespmem:s25], [sflag:$0x1] =	stream.indirect_vreg.gather [hbm4b:s3+s2], $0x80, v3, vm0, $0xb8;
	[tilespmem:$0xC080] =	vst v63  }
0xca: {  	_ = 	snop  }
0xcb: {  	[tilespmem:s26], [sflag:$0x1] =	stream.indirect_vreg.gather [hbm4b:s4+s2], $0x80, v3, vm0, $0xb8;
	[tilespmem:$0xC080] =	vst v63  }
0xcc: {  	v3 =	vld [tilespmem:$0x50];
	_ =	sdelay $0x4  }
0xcd: {  	v57 =	vshll.u32 v3, $0x2  }
0xce: {  	v3 =	vand.u32 $0x7, v3;
	v4 =	vand.u32 $0xFFFFFFE0, v57  }
0xcf: {  	v3 =	vor.u32 v3, v4  }
0xd0: {  	v4 =	vperm.xlane v3, v0;
	_ =	sdelay $0x1  }
0xd1: {  	v4 =	vadd.s32 v1, v4;
	_ =	sdelay $0x1  }
0xd2: {  	v3 =	vperm.xlane v3, v2;
	_ =	sdelay $0x1  }
0xd3: {  	v3 =	vadd.s32 v1, v3  }
0xd4: {  	[tilespmem:s28], [sflag:$0x1] =	stream.indirect_vreg.gather [hbm4b:s3+s2], $0x80, v4, vm0, $0xb8;
	[tilespmem:$0xC080] =	vst v63  }
0xd5: {  	_ = 	snop  }
0xd6: {  	[tilespmem:s29], [sflag:$0x1] =	stream.indirect_vreg.gather [hbm4b:s4+s2], $0x80, v4, vm0, $0xb8;
	[tilespmem:$0xC080] =	vst v63  }
0xd7: {  	_ = 	snop  }
0xd8: {  	[tilespmem:s30], [sflag:$0x1] =	stream.indirect_vreg.gather [hbm4b:s3+s2], $0x80, v3, vm0, $0xb8;
	[tilespmem:$0xC080] =	vst v63  }
0xd9: {  	_ = 	snop  }
0xda: {  	[tilespmem:s31], [sflag:$0x1] =	stream.indirect_vreg.gather [hbm4b:s4+s2], $0x80, v3, vm0, $0xb8;
	[tilespmem:$0xC080] =	vst v63  }
0xdb: {  	_ =	swait.ge [sflag:s1], $0xC000  }
0xdc: {  	[sflag:s1] =	ssyncset.done $0x0  }
0xdd: {  	s0 =	rddreg [dreg:$0x6];
	[sflag:s1] =	ssyncadd.s32 $0xFFFF4000  }
0xde: {  	[hbm4b:s0+s2] =	stream.linear.scatter [tilespmem:s7], [sflag:$0x2], $0xC000, $0x38;
	[tilespmem:$0xC080] =	vst v63  }
0xdf: {  	_ =	swait.ge [sflag:s6], $0xC000  }
0xe0: {  	[sflag:s6] =	ssyncset.done $0x0  }
0xe1: {  	s0 =	rddreg [dreg:$0x7];
	[sflag:s6] =	ssyncadd.s32 $0xFFFF4000  }
0xe2: {  	[tilespmem:s2], [sflag:$0x2] =	stream.linear.gather [hbm4b:s0+s2], $0x60, $0x38;
	[tilespmem:$0xC080] =	vst v63  }
0xe3: {  	_ =	swait.ge [sflag:s6], $0x60  }
0xe4: {  	[sflag:s6] =	ssyncset.done $0x0  }
0xe5: {  	[sflag:s6] =	ssyncadd.s32 $0xFFFFFFA0  }
0xe6: {  	v3 =	vld [tilespmem:$0x0];
	_ =	sdelay $0x4  }
0xe7: {  	v58 =	vshll.u32 v3, $0x2  }
0xe8: {  	v3 =	vand.u32 $0x7, v3;
	v4 =	vand.u32 $0xFFFFFFE0, v58  }
0xe9: {  	v3 =	vor.u32 v3, v4  }
0xea: {  	v4 =	vperm.xlane v3, v0;
	_ =	sdelay $0x1  }
0xeb: {  	v4 =	vadd.s32 v1, v4;
	_ =	sdelay $0x1  }
0xec: {  	v3 =	vperm.xlane v3, v2;
	_ =	sdelay $0x1  }
0xed: {  	v3 =	vadd.s32 v1, v3  }
0xee: {  	[tilespmem:s7], [sflag:$0x1] =	stream.indirect_vreg.gather [hbm4b:s3+s2], $0x80, v4, vm0, $0xb8;
	[tilespmem:$0xC080] =	vst v63  }
0xef: {  	_ = 	snop  }
0xf0: {  	[tilespmem:s8], [sflag:$0x1] =	stream.indirect_vreg.gather [hbm4b:s4+s2], $0x80, v4, vm0, $0xb8;
	[tilespmem:$0xC080] =	vst v63  }
0xf1: {  	_ = 	snop  }
0xf2: {  	[tilespmem:s9], [sflag:$0x1] =	stream.indirect_vreg.gather [hbm4b:s3+s2], $0x80, v3, vm0, $0xb8;
	[tilespmem:$0xC080] =	vst v63  }
0xf3: {  	_ = 	snop  }
0xf4: {  	[tilespmem:s10], [sflag:$0x1] =	stream.indirect_vreg.gather [hbm4b:s4+s2], $0x80, v3, vm0, $0xb8;
	[tilespmem:$0xC080] =	vst v63  }
0xf5: {  	v3 =	vld [tilespmem:$0x10];
	_ =	sdelay $0x4  }
0xf6: {  	v59 =	vshll.u32 v3, $0x2  }
0xf7: {  	v3 =	vand.u32 $0x7, v3;
	v4 =	vand.u32 $0xFFFFFFE0, v59  }
0xf8: {  	v3 =	vor.u32 v3, v4  }
0xf9: {  	v4 =	vperm.xlane v3, v0;
	_ =	sdelay $0x1  }
0xfa: {  	v4 =	vadd.s32 v1, v4;
	_ =	sdelay $0x1  }
0xfb: {  	v3 =	vperm.xlane v3, v2;
	_ =	sdelay $0x1  }
0xfc: {  	v3 =	vadd.s32 v1, v3  }
0xfd: {  	[tilespmem:s11], [sflag:$0x1] =	stream.indirect_vreg.gather [hbm4b:s3+s2], $0x80, v4, vm0, $0xb8;
	[tilespmem:$0xC080] =	vst v63  }
0xfe: {  	_ = 	snop  }
0xff: {  	[tilespmem:s12], [sflag:$0x1] =	stream.indirect_vreg.gather [hbm4b:s4+s2], $0x80, v4, vm0, $0xb8;
	[tilespmem:$0xC080] =	vst v63  }
0x100: {  	_ = 	snop  }
0x101: {  	[tilespmem:s13], [sflag:$0x1] =	stream.indirect_vreg.gather [hbm4b:s3+s2], $0x80, v3, vm0, $0xb8;
	[tilespmem:$0xC080] =	vst v63  }
0x102: {  	_ = 	snop  }
0x103: {  	[tilespmem:s14], [sflag:$0x1] =	stream.indirect_vreg.gather [hbm4b:s4+s2], $0x80, v3, vm0, $0xb8;
	[tilespmem:$0xC080] =	vst v63  }
0x104: {  	v3 =	vld [tilespmem:$0x20];
	_ =	sdelay $0x4  }
0x105: {  	v60 =	vshll.u32 v3, $0x2  }
0x106: {  	v3 =	vand.u32 $0x7, v3;
	v4 =	vand.u32 $0xFFFFFFE0, v60  }
0x107: {  	v3 =	vor.u32 v3, v4  }
0x108: {  	v4 =	vperm.xlane v3, v0;
	_ =	sdelay $0x1  }
0x109: {  	v4 =	vadd.s32 v1, v4;
	_ =	sdelay $0x1  }
0x10a: {  	v3 =	vperm.xlane v3, v2;
	_ =	sdelay $0x1  }
0x10b: {  	v3 =	vadd.s32 v1, v3  }
0x10c: {  	[tilespmem:s15], [sflag:$0x1] =	stream.indirect_vreg.gather [hbm4b:s3+s2], $0x80, v4, vm0, $0xb8;
	[tilespmem:$0xC080] =	vst v63  }
0x10d: {  	_ = 	snop  }
0x10e: {  	[tilespmem:s16], [sflag:$0x1] =	stream.indirect_vreg.gather [hbm4b:s4+s2], $0x80, v4, vm0, $0xb8;
	[tilespmem:$0xC080] =	vst v63  }
0x10f: {  	_ = 	snop  }
0x110: {  	[tilespmem:s17], [sflag:$0x1] =	stream.indirect_vreg.gather [hbm4b:s3+s2], $0x80, v3, vm0, $0xb8;
	[tilespmem:$0xC080] =	vst v63  }
0x111: {  	_ = 	snop  }
0x112: {  	[tilespmem:s18], [sflag:$0x1] =	stream.indirect_vreg.gather [hbm4b:s4+s2], $0x80, v3, vm0, $0xb8;
	[tilespmem:$0xC080] =	vst v63  }
0x113: {  	v3 =	vld [tilespmem:$0x30];
	_ =	sdelay $0x4  }
0x114: {  	v61 =	vshll.u32 v3, $0x2  }
0x115: {  	v3 =	vand.u32 $0x7, v3;
	v4 =	vand.u32 $0xFFFFFFE0, v61  }
0x116: {  	v3 =	vor.u32 v3, v4  }
0x117: {  	v4 =	vperm.xlane v3, v0;
	_ =	sdelay $0x1  }
0x118: {  	v4 =	vadd.s32 v1, v4;
	_ =	sdelay $0x1  }
0x119: {  	v3 =	vperm.xlane v3, v2;
	_ =	sdelay $0x1  }
0x11a: {  	v3 =	vadd.s32 v1, v3  }
0x11b: {  	[tilespmem:s19], [sflag:$0x1] =	stream.indirect_vreg.gather [hbm4b:s3+s2], $0x80, v4, vm0, $0xb8;
	[tilespmem:$0xC080] =	vst v63  }
0x11c: {  	_ = 	snop  }
0x11d: {  	[tilespmem:s20], [sflag:$0x1] =	stream.indirect_vreg.gather [hbm4b:s4+s2], $0x80, v4, vm0, $0xb8;
	[tilespmem:$0xC080] =	vst v63  }
0x11e: {  	_ = 	snop  }
0x11f: {  	[tilespmem:s21], [sflag:$0x1] =	stream.indirect_vreg.gather [hbm4b:s3+s2], $0x80, v3, vm0, $0xb8;
	[tilespmem:$0xC080] =	vst v63  }
0x120: {  	_ = 	snop  }
0x121: {  	[tilespmem:s22], [sflag:$0x1] =	stream.indirect_vreg.gather [hbm4b:s4+s2], $0x80, v3, vm0, $0xb8;
	[tilespmem:$0xC080] =	vst v63  }
0x122: {  	v3 =	vld [tilespmem:$0x40];
	_ =	sdelay $0x4  }
0x123: {  	v62 =	vshll.u32 v3, $0x2  }
0x124: {  	v3 =	vand.u32 $0x7, v3;
	v4 =	vand.u32 $0xFFFFFFE0, v62  }
0x125: {  	v3 =	vor.u32 v3, v4  }
0x126: {  	v4 =	vperm.xlane v3, v0;
	_ =	sdelay $0x1  }
0x127: {  	v4 =	vadd.s32 v1, v4;
	_ =	sdelay $0x1  }
0x128: {  	v3 =	vperm.xlane v3, v2;
	_ =	sdelay $0x1  }
0x129: {  	v3 =	vadd.s32 v1, v3  }
0x12a: {  	[tilespmem:s23], [sflag:$0x1] =	stream.indirect_vreg.gather [hbm4b:s3+s2], $0x80, v4, vm0, $0xb8;
	[tilespmem:$0xC080] =	vst v63  }
0x12b: {  	_ = 	snop  }
0x12c: {  	[tilespmem:s24], [sflag:$0x1] =	stream.indirect_vreg.gather [hbm4b:s4+s2], $0x80, v4, vm0, $0xb8;
	[tilespmem:$0xC080] =	vst v63  }
0x12d: {  	_ = 	snop  }
0x12e: {  	[tilespmem:s25], [sflag:$0x1] =	stream.indirect_vreg.gather [hbm4b:s3+s2], $0x80, v3, vm0, $0xb8;
	[tilespmem:$0xC080] =	vst v63  }
0x12f: {  	_ = 	snop  }
0x130: {  	[tilespmem:s26], [sflag:$0x1] =	stream.indirect_vreg.gather [hbm4b:s4+s2], $0x80, v3, vm0, $0xb8;
	[tilespmem:$0xC080] =	vst v63  }
0x131: {  	v3 =	vld [tilespmem:$0x50];
	_ =	sdelay $0x4  }
0x132: {  	v63 =	vshll.u32 v3, $0x2  }
0x133: {  	v3 =	vand.u32 $0x7, v3;
	v4 =	vand.u32 $0xFFFFFFE0, v63  }
0x134: {  	v3 =	vor.u32 v3, v4  }
0x135: {  	v4 =	vperm.xlane v3, v0;
	_ =	sdelay $0x1  }
0x136: {  	v4 =	vadd.s32 v1, v4;
	_ =	sdelay $0x1  }
0x137: {  	v3 =	vperm.xlane v3, v2;
	_ =	sdelay $0x1  }
0x138: {  	v3 =	vadd.s32 v1, v3  }
0x139: {  	[tilespmem:s28], [sflag:$0x1] =	stream.indirect_vreg.gather [hbm4b:s3+s2], $0x80, v4, vm0, $0xb8;
	[tilespmem:$0xC080] =	vst v63  }
0x13a: {  	_ = 	snop  }
0x13b: {  	[tilespmem:s29], [sflag:$0x1] =	stream.indirect_vreg.gather [hbm4b:s4+s2], $0x80, v4, vm0, $0xb8;
	[tilespmem:$0xC080] =	vst v63  }
0x13c: {  	_ = 	snop  }
0x13d: {  	[tilespmem:s30], [sflag:$0x1] =	stream.indirect_vreg.gather [hbm4b:s3+s2], $0x80, v3, vm0, $0xb8;
	[tilespmem:$0xC080] =	vst v63  }
0x13e: {  	_ = 	snop  }
0x13f: {  	[tilespmem:s31], [sflag:$0x1] =	stream.indirect_vreg.gather [hbm4b:s4+s2], $0x80, v3, vm0, $0xb8;
	[tilespmem:$0xC080] =	vst v63  }
0x140: {  	_ =	swait.ge [sflag:s1], $0xC000  }
0x141: {  	p0 =	sne.s32 s5, $0x1;
	[sflag:s1] =	ssyncset.done $0x0  }
.Ltmp0:
0x142: {  	s0 =	rddreg [dreg:$0x8];
	[sflag:s1] =	ssyncadd.s32 $0xFFFF4000;
	(pc) =	sbr.rel @p0 .LBB2_1-.Ltmp0, $4  }
0x143: {  	[hbm4b:s0+s2] =	stream.linear.scatter [tilespmem:s7], [sflag:$0x2], $0xC000, $0x38;
	[tilespmem:$0xC080] =	vst v63  }
0x144: {  	_ =	swait.ge [sflag:s6], $0xC000  }
0x145: {  	[sflag:s6] =	ssyncset.done $0x0  }
0x146: {  	s5 =	sadd.s32 $0xFFFFFFFF, s5;
	[sflag:s6] =	ssyncadd.s32 $0xFFFF4000  }
0x147: {  	_ =	sfence.sel $0x180000  }
0x148: {  	[bflag:$0x0] =	sbarrier.arrive $0xFFFF  }
0x149: {  	_ =	strace $0x90000047  }
0x14a: {  	s0 =	stileid.u32;
	[bflag:$0x2] =	sbarrier.arrive $0xFFFF  }
0x14b: {  	p0 =	sne.s32 s0, $0x0;
	s0 =	rddreg [dreg:$0x2]  }
0x14c: {  	s0 =	sadd.s32 @!p0 $0x100000, s0  }
0x14d: {  	[sflag:s0] =	ssyncadd.tile.s32 @!p0 $0x1;
	_ =	shalt  }
.Lfunc_end2:
_tile_overlayer_lowered:
.L_overlay_start_2:
0x14e: {  	(tag) =	ssettag $0x2  }
0x14f: {  	s0 =	rddreg [dreg:$0x0];
	s2 =	stileid.u32  }
0x150: {  	s1 =	rddreg [dreg:$0x1];
	p0 =	sne.s32 s2, $0x0  }
0x151: {  	s3 =	rddreg [dreg:$0x2];
	[bflag:$0x3] =	sbarrier.arrive $0xFFFF;
	s2 =	simm.s32 @!p0 $0x1C02  }
0x152: {  	[timem:s3], [sflag:s2] =	dma.local @!p0 [hbm:s0], s1  }
0x153: {  	s0 =	simm.s32 @!p0 $0x2  }
0x154: {  	_ =	swait.ge @!p0 [sflag:s0], s1  }
0x155: {  	s1 =	ssub.s32 @!p0 $0x0, s1;
	[sflag:s0] =	ssyncset.done @!p0 $0x0  }
0x156: {  	[sflag:s0] =	ssyncadd.s32 @!p0 s1  }
0x157: {  	[bflag:$0x3] =	sbarrier.arrive $0xFFFF  }
0x158: {  	_ =	shalt  }

</sc_bundles>
